<compile_context>
chip_gen: v7x
topology: tpu7x:2x2x1
jax: 0.10.2.dev20260603
libtpu: 0.0.44.dev20260713+nightly
codegen_flags: <defaults>
</compile_context>

<pallas_src>
import functools

import jax
import jax.numpy as jnp
from jax import lax
from jax.experimental import pallas as pl
from jax.experimental.pallas import tpu as pltpu
from jax.experimental.pallas import tpu_sc as plsc

NBUF = 3
CHUNK = 256


def kernel(input_ids, table):
    B0, S = input_ids.shape
    V, D = table.shape
    B = B0 * S

    info = plsc.get_sparse_core_info()
    NC, NS = info.num_cores, info.num_subcores
    NW = NC * NS

    b_per_w = B // NW
    n_chunks = b_per_w // CHUNK
    assert b_per_w * NW == B
    assert n_chunks * CHUNK == b_per_w and n_chunks >= 2 * NBUF

    idx2 = input_ids.reshape(NW, b_per_w).astype(jnp.int32)

    mesh = plsc.VectorSubcoreMesh(core_axis_name="c", subcore_axis_name="s")

    @functools.partial(
        pl.kernel,
        mesh=mesh,
        out_type=jax.ShapeDtypeStruct((B, D), jnp.float32),
        scratch_types=[
            pltpu.VMEM((b_per_w,), jnp.int32),
            pltpu.VMEM((NBUF, CHUNK, D), jnp.float32),
        ]
        + [pltpu.SemaphoreType.DMA] * (2 * NBUF),
    )
    def emb(idx_hbm, table_hbm, out_hbm, idx_v, rows_v, *sems):
        gsem, osem = sems[:NBUF], sems[NBUF:]
        wid = lax.axis_index("s") * NC + lax.axis_index("c")
        base = wid * b_per_w
        pltpu.sync_copy(idx_hbm.at[wid], idx_v)

        def gather(t, b):
            return pltpu.make_async_copy(
                table_hbm.at[idx_v.at[pl.ds(t * CHUNK, CHUNK)]], rows_v.at[b], gsem[b]
            )

        def store(t, b):
            return pltpu.make_async_copy(
                rows_v.at[b], out_hbm.at[pl.ds(base + t * CHUNK, CHUNK)], osem[b]
            )

        for b in range(NBUF):
            gather(b, b).start()

        n_groups = (n_chunks - NBUF) // NBUF

        def group(g, carry):
            for b in range(NBUF):
                t = g * NBUF + b
                gather(t, b).wait()
                store(t, b).start()
            for b in range(NBUF):
                t = g * NBUF + b
                store(t, b).wait()
                gather(t + NBUF, b).start()
            return carry

        lax.fori_loop(0, n_groups, group, 0)

        t0 = n_groups * NBUF
        rem = n_chunks - t0
        for r in range(NBUF):
            gather(t0 + r, r).wait()
            store(t0 + r, r).start()
        for r in range(NBUF, rem):
            b = r % NBUF
            store(t0 + r - NBUF, b).wait()
            gather(t0 + r, b).start()
            gather(t0 + r, b).wait()
            store(t0 + r, b).start()
        for r in range(max(rem - NBUF, 0), rem):
            store(t0 + r, r % NBUF).wait()

    out = emb(idx2, table)
    return out.reshape(B0, S, D)

# --- scband reference (transcript-rebuilt; emitter-appended) ---
"""Pipeline reference for scband-embedding-layer-22746146800274 (READ-ONLY COPY).

The authoritative reference and input builder live on the scoring server;
editing this copy changes nothing except your own understanding.
"""

import jax, jax.numpy as jnp
import numpy as np

VOCAB = 100000
EMBED_DIM = 128

def setup_inputs(seed: int = 0) -> dict:
    key = jax.random.key(seed)
    k1, k2 = jax.random.split(key)
    input_ids = jax.random.randint(k1, (4096, 200), 0, VOCAB, dtype=jnp.int64 if jax.config.jax_enable_x64 else jnp.int32)
    table = jax.random.normal(k2, (VOCAB, EMBED_DIM), dtype=jnp.float32)
    return {"input_ids": input_ids, "table": table}

def reference(input_ids, table):
    # EmbeddingLayer.forward: self.embedding(input_ids) -> gather rows
    # dropout=0.0 so embedding is plain nn.Embedding; eval semantics = pure gather
    return jnp.take(table, input_ids, axis=0)

if __name__ == "__main__":
    import jax
    _d = setup_inputs()
    print(jax.jit(kernel)(*tuple(_d.values())))

</pallas_src>

<mosaic_0001>
#map = affine_map<(d0, d1) -> (0, 0)>
module attributes {stable_mosaic.version = 14 : i64} {
  func.func @emb(%arg0: i32, %arg1: i32, %arg2: memref<32x25600xi32, #tpu.memory_space<hbm>>, %arg3: memref<100000x128xf32, #tpu.memory_space<hbm>>, %arg4: memref<819200x128xf32, #tpu.memory_space<hbm>>, %arg5: memref<25600xi32, #tpu.memory_space<vmem>>, %arg6: memref<3x256x128xf32, #tpu.memory_space<vmem>>, %arg7: memref<!tpu.dma_semaphore, #tpu.memory_space<semaphore_mem>>, %arg8: memref<!tpu.dma_semaphore, #tpu.memory_space<semaphore_mem>>, %arg9: memref<!tpu.dma_semaphore, #tpu.memory_space<semaphore_mem>>, %arg10: memref<!tpu.dma_semaphore, #tpu.memory_space<semaphore_mem>>, %arg11: memref<!tpu.dma_semaphore, #tpu.memory_space<semaphore_mem>>, %arg12: memref<!tpu.dma_semaphore, #tpu.memory_space<semaphore_mem>>) attributes {dimension_semantics = [#tpu.dimension_semantics<core_parallel>, #tpu.dimension_semantics<subcore_parallel>], iteration_bounds = array<i64: 2, 16>, scalar_prefetch = 0 : i64, scratch_operands = 8 : i64, tpu.core_type = #tpu.core_type<sc_vector_subcore>, window_params = [{transform_indices = #map}, {transform_indices = #map}, {transform_indices = #map}]} {
    %mul3A = arith.constant 2 : i32
    %mul3A_0 = arith.muli %arg1, %mul3A : i32
    %add3A = arith.addi %mul3A_0, %arg0 : i32
    %mul3A_1 = arith.constant 25600 : i32
    %mul3A_2 = arith.muli %add3A, %mul3A_1 : i32
    "tpu.region"() ({
      %run_scoped3A = tpu.sem_alloc : memref<!tpu.dma_semaphore, #tpu.memory_space<semaphore_mem>>
      %dma_start3A_206 = arith.constant 0 : i32
      %dma_start3A_207 = tpu.memref_slice %arg2[%add3A, %dma_start3A_206] : memref<32x25600xi32, #tpu.memory_space<hbm>> -> memref<1x25600xi32, #tpu.memory_space<hbm>>
      %dma_start3A_208 = tpu.memref_squeeze %dma_start3A_207 : memref<1x25600xi32, #tpu.memory_space<hbm>> -> memref<25600xi32, #tpu.memory_space<hbm>>
      %dma_start3A_209 = arith.constant 0 : i32
      %dma_start3A_210 = tpu.memref_slice %arg2[%add3A, %dma_start3A_209] : memref<32x25600xi32, #tpu.memory_space<hbm>> -> memref<1x25600xi32, #tpu.memory_space<hbm>>
      %dma_start3A_211 = tpu.memref_squeeze %dma_start3A_210 : memref<1x25600xi32, #tpu.memory_space<hbm>> -> memref<25600xi32, #tpu.memory_space<hbm>>
      tpu.enqueue_dma source(%dma_start3A_211 : memref<25600xi32, #tpu.memory_space<hbm>>) target(%arg5 : memref<25600xi32, #tpu.memory_space<vmem>>) target_semaphore(%run_scoped3A : memref<!tpu.dma_semaphore, #tpu.memory_space<semaphore_mem>>)
      %dma_wait3A_212 = arith.constant 0 : i32
      %dma_wait3A_213 = tpu.memref_slice %arg2[%add3A, %dma_wait3A_212] : memref<32x25600xi32, #tpu.memory_space<hbm>> -> memref<1x25600xi32, #tpu.memory_space<hbm>>
      %dma_wait3A_214 = tpu.memref_squeeze %dma_wait3A_213 : memref<1x25600xi32, #tpu.memory_space<hbm>> -> memref<25600xi32, #tpu.memory_space<hbm>>
      %dma_wait3A_215 = arith.constant 0 : i32
      %dma_wait3A_216 = tpu.memref_slice %arg2[%add3A, %dma_wait3A_215] : memref<32x25600xi32, #tpu.memory_space<hbm>> -> memref<1x25600xi32, #tpu.memory_space<hbm>>
      %dma_wait3A_217 = tpu.memref_squeeze %dma_wait3A_216 : memref<1x25600xi32, #tpu.memory_space<hbm>> -> memref<25600xi32, #tpu.memory_space<hbm>>
      tpu.wait_dma2 semaphore(%run_scoped3A : memref<!tpu.dma_semaphore, #tpu.memory_space<semaphore_mem>>) src(%dma_wait3A_217 : memref<25600xi32, #tpu.memory_space<hbm>>) dst(%arg5 : memref<25600xi32, #tpu.memory_space<vmem>>)
      tpu.yield
    }) : () -> ()
    %dma_start3A = arith.constant 0 : i32
    %dma_start3A_3 = arith.constant 0 : i32
    %dma_start3A_4 = arith.constant 0 : i32
    %dma_start3A_5 = tpu.memref_slice %arg6[%dma_start3A, %dma_start3A_3, %dma_start3A_4] : memref<3x256x128xf32, #tpu.memory_space<vmem>> -> memref<1x256x128xf32, #tpu.memory_space<vmem>>
    %dma_start3A_6 = tpu.memref_squeeze %dma_start3A_5 : memref<1x256x128xf32, #tpu.memory_space<vmem>> -> memref<256x128xf32, #tpu.memory_space<vmem>>
    %dma_start3A_7 = arith.constant 0 : i32
    %dma_start3A_8 = tpu.memref_slice %arg5[%dma_start3A_7] : memref<25600xi32, #tpu.memory_space<vmem>> -> memref<256xi32, #tpu.memory_space<vmem>>
    %dma_start3A_9 = arith.constant 0 : i32
    %dma_start3A_10 = arith.constant 0 : i32
    %dma_start3A_11 = tpu.memref_slice %arg3[%dma_start3A_9, %dma_start3A_10] : memref<100000x128xf32, #tpu.memory_space<hbm>> -> memref<100000x128xf32, #tpu.memory_space<hbm>>
    tpu.enqueue_indirect_dma source(%dma_start3A_11 : memref<100000x128xf32, #tpu.memory_space<hbm>>) target(%dma_start3A_6 : memref<256x128xf32, #tpu.memory_space<vmem>>) offsets(%dma_start3A_8 : memref<256xi32, #tpu.memory_space<vmem>>) semaphore(%arg7 : memref<!tpu.dma_semaphore, #tpu.memory_space<semaphore_mem>>)
    %dma_start3A_12 = arith.constant 1 : i32
    %dma_start3A_13 = arith.constant 0 : i32
    %dma_start3A_14 = arith.constant 0 : i32
    %dma_start3A_15 = tpu.memref_slice %arg6[%dma_start3A_12, %dma_start3A_13, %dma_start3A_14] : memref<3x256x128xf32, #tpu.memory_space<vmem>> -> memref<1x256x128xf32, #tpu.memory_space<vmem>>
    %dma_start3A_16 = tpu.memref_squeeze %dma_start3A_15 : memref<1x256x128xf32, #tpu.memory_space<vmem>> -> memref<256x128xf32, #tpu.memory_space<vmem>>
    %dma_start3A_17 = arith.constant 256 : i32
    %dma_start3A_18 = tpu.memref_slice %arg5[%dma_start3A_17] : memref<25600xi32, #tpu.memory_space<vmem>> -> memref<256xi32, #tpu.memory_space<vmem>>
    %dma_start3A_19 = arith.constant 0 : i32
    %dma_start3A_20 = arith.constant 0 : i32
    %dma_start3A_21 = tpu.memref_slice %arg3[%dma_start3A_19, %dma_start3A_20] : memref<100000x128xf32, #tpu.memory_space<hbm>> -> memref<100000x128xf32, #tpu.memory_space<hbm>>
    tpu.enqueue_indirect_dma source(%dma_start3A_21 : memref<100000x128xf32, #tpu.memory_space<hbm>>) target(%dma_start3A_16 : memref<256x128xf32, #tpu.memory_space<vmem>>) offsets(%dma_start3A_18 : memref<256xi32, #tpu.memory_space<vmem>>) semaphore(%arg8 : memref<!tpu.dma_semaphore, #tpu.memory_space<semaphore_mem>>)
    %dma_start3A_22 = arith.constant 2 : i32
    %dma_start3A_23 = arith.constant 0 : i32
    %dma_start3A_24 = arith.constant 0 : i32
    %dma_start3A_25 = tpu.memref_slice %arg6[%dma_start3A_22, %dma_start3A_23, %dma_start3A_24] : memref<3x256x128xf32, #tpu.memory_space<vmem>> -> memref<1x256x128xf32, #tpu.memory_space<vmem>>
    %dma_start3A_26 = tpu.memref_squeeze %dma_start3A_25 : memref<1x256x128xf32, #tpu.memory_space<vmem>> -> memref<256x128xf32, #tpu.memory_space<vmem>>
    %dma_start3A_27 = arith.constant 512 : i32
    %dma_start3A_28 = tpu.memref_slice %arg5[%dma_start3A_27] : memref<25600xi32, #tpu.memory_space<vmem>> -> memref<256xi32, #tpu.memory_space<vmem>>
    %dma_start3A_29 = arith.constant 0 : i32
    %dma_start3A_30 = arith.constant 0 : i32
    %dma_start3A_31 = tpu.memref_slice %arg3[%dma_start3A_29, %dma_start3A_30] : memref<100000x128xf32, #tpu.memory_space<hbm>> -> memref<100000x128xf32, #tpu.memory_space<hbm>>
    tpu.enqueue_indirect_dma source(%dma_start3A_31 : memref<100000x128xf32, #tpu.memory_space<hbm>>) target(%dma_start3A_26 : memref<256x128xf32, #tpu.memory_space<vmem>>) offsets(%dma_start3A_28 : memref<256xi32, #tpu.memory_space<vmem>>) semaphore(%arg9 : memref<!tpu.dma_semaphore, #tpu.memory_space<semaphore_mem>>)
    %scan3A = arith.constant 0 : i32
    %scan3A_32 = arith.constant 0 : i32
    %scan3A_33 = arith.constant 32 : i32
    %scan3A_34 = arith.addi %scan3A_32, %scan3A_33 : i32
    %scan3A_35 = arith.constant 1 : i32
    scf.for %scan3A_206 = %scan3A_32 to %scan3A_34 step %scan3A_35  : i32 {
      %mul3A_207 = arith.constant 3 : i32
      %mul3A_208 = arith.muli %scan3A_206, %mul3A_207 : i32
      %add3A_209 = arith.constant 0 : i32
      %add3A_210 = arith.addi %mul3A_208, %add3A_209 : i32
      %mul3A_211 = arith.constant 256 : i32
      %mul3A_212 = arith.muli %add3A_210, %mul3A_211 : i32
      %dma_wait3A_213 = arith.constant 0 : i32
      %dma_wait3A_214 = arith.constant 0 : i32
      %dma_wait3A_215 = arith.constant 0 : i32
      %dma_wait3A_216 = tpu.memref_slice %arg6[%dma_wait3A_213, %dma_wait3A_214, %dma_wait3A_215] : memref<3x256x128xf32, #tpu.memory_space<vmem>> -> memref<1x256x128xf32, #tpu.memory_space<vmem>>
      %dma_wait3A_217 = tpu.memref_squeeze %dma_wait3A_216 : memref<1x256x128xf32, #tpu.memory_space<vmem>> -> memref<256x128xf32, #tpu.memory_space<vmem>>
      %dma_wait3A_218 = tpu.memref_slice %arg5[%mul3A_212] : memref<25600xi32, #tpu.memory_space<vmem>> -> memref<256xi32, #tpu.memory_space<vmem>>
      %dma_wait3A_219 = arith.constant 0 : i32
      %dma_wait3A_220 = arith.constant 0 : i32
      %dma_wait3A_221 = tpu.memref_slice %arg3[%dma_wait3A_219, %dma_wait3A_220] : memref<100000x128xf32, #tpu.memory_space<hbm>> -> memref<100000x128xf32, #tpu.memory_space<hbm>>
      tpu.wait_indirect_dma semaphore(%arg7 : memref<!tpu.dma_semaphore, #tpu.memory_space<semaphore_mem>>) src(%dma_wait3A_221 : memref<100000x128xf32, #tpu.memory_space<hbm>>) dst(%dma_wait3A_217 : memref<256x128xf32, #tpu.memory_space<vmem>>)
      %mul3A_222 = arith.constant 256 : i32
      %mul3A_223 = arith.muli %add3A_210, %mul3A_222 : i32
      %add3A_224 = arith.addi %mul3A_2, %mul3A_223 : i32
      %dma_start3A_225 = arith.constant 0 : i32
      %dma_start3A_226 = arith.constant 0 : i32
      %dma_start3A_227 = arith.constant 0 : i32
      %dma_start3A_228 = tpu.memref_slice %arg6[%dma_start3A_225, %dma_start3A_226, %dma_start3A_227] : memref<3x256x128xf32, #tpu.memory_space<vmem>> -> memref<1x256x128xf32, #tpu.memory_space<vmem>>
      %dma_start3A_229 = tpu.memref_squeeze %dma_start3A_228 : memref<1x256x128xf32, #tpu.memory_space<vmem>> -> memref<256x128xf32, #tpu.memory_space<vmem>>
      %dma_start3A_230 = arith.constant 0 : i32
      %dma_start3A_231 = tpu.memref_slice %arg4[%add3A_224, %dma_start3A_230] : memref<819200x128xf32, #tpu.memory_space<hbm>> -> memref<256x128xf32, #tpu.memory_space<hbm>>
      %dma_start3A_232 = arith.constant 0 : i32
      %dma_start3A_233 = tpu.memref_slice %arg4[%add3A_224, %dma_start3A_232] : memref<819200x128xf32, #tpu.memory_space<hbm>> -> memref<256x128xf32, #tpu.memory_space<hbm>>
      %dma_start3A_234 = arith.constant 0 : i32
      %dma_start3A_235 = arith.constant 0 : i32
      %dma_start3A_236 = tpu.memref_slice %arg6[%dma_start3A_225, %dma_start3A_234, %dma_start3A_235] : memref<3x256x128xf32, #tpu.memory_space<vmem>> -> memref<1x256x128xf32, #tpu.memory_space<vmem>>
      %dma_start3A_237 = tpu.memref_squeeze %dma_start3A_236 : memref<1x256x128xf32, #tpu.memory_space<vmem>> -> memref<256x128xf32, #tpu.memory_space<vmem>>
      tpu.enqueue_dma source(%dma_start3A_237 : memref<256x128xf32, #tpu.memory_space<vmem>>) target(%dma_start3A_233 : memref<256x128xf32, #tpu.memory_space<hbm>>) target_semaphore(%arg10 : memref<!tpu.dma_semaphore, #tpu.memory_space<semaphore_mem>>)
      %mul3A_238 = arith.constant 3 : i32
      %mul3A_239 = arith.muli %scan3A_206, %mul3A_238 : i32
      %add3A_240 = arith.constant 1 : i32
      %add3A_241 = arith.addi %mul3A_239, %add3A_240 : i32
      %mul3A_242 = arith.constant 256 : i32
      %mul3A_243 = arith.muli %add3A_241, %mul3A_242 : i32
      %dma_wait3A_244 = arith.constant 1 : i32
      %dma_wait3A_245 = arith.constant 0 : i32
      %dma_wait3A_246 = arith.constant 0 : i32
      %dma_wait3A_247 = tpu.memref_slice %arg6[%dma_wait3A_244, %dma_wait3A_245, %dma_wait3A_246] : memref<3x256x128xf32, #tpu.memory_space<vmem>> -> memref<1x256x128xf32, #tpu.memory_space<vmem>>
      %dma_wait3A_248 = tpu.memref_squeeze %dma_wait3A_247 : memref<1x256x128xf32, #tpu.memory_space<vmem>> -> memref<256x128xf32, #tpu.memory_space<vmem>>
      %dma_wait3A_249 = tpu.memref_slice %arg5[%mul3A_243] : memref<25600xi32, #tpu.memory_space<vmem>> -> memref<256xi32, #tpu.memory_space<vmem>>
      %dma_wait3A_250 = arith.constant 0 : i32
      %dma_wait3A_251 = arith.constant 0 : i32
      %dma_wait3A_252 = tpu.memref_slice %arg3[%dma_wait3A_250, %dma_wait3A_251] : memref<100000x128xf32, #tpu.memory_space<hbm>> -> memref<100000x128xf32, #tpu.memory_space<hbm>>
      tpu.wait_indirect_dma semaphore(%arg8 : memref<!tpu.dma_semaphore, #tpu.memory_space<semaphore_mem>>) src(%dma_wait3A_252 : memref<100000x128xf32, #tpu.memory_space<hbm>>) dst(%dma_wait3A_248 : memref<256x128xf32, #tpu.memory_space<vmem>>)
      %mul3A_253 = arith.constant 256 : i32
      %mul3A_254 = arith.muli %add3A_241, %mul3A_253 : i32
      %add3A_255 = arith.addi %mul3A_2, %mul3A_254 : i32
      %dma_start3A_256 = arith.constant 1 : i32
      %dma_start3A_257 = arith.constant 0 : i32
      %dma_start3A_258 = arith.constant 0 : i32
      %dma_start3A_259 = tpu.memref_slice %arg6[%dma_start3A_256, %dma_start3A_257, %dma_start3A_258] : memref<3x256x128xf32, #tpu.memory_space<vmem>> -> memref<1x256x128xf32, #tpu.memory_space<vmem>>
      %dma_start3A_260 = tpu.memref_squeeze %dma_start3A_259 : memref<1x256x128xf32, #tpu.memory_space<vmem>> -> memref<256x128xf32, #tpu.memory_space<vmem>>
      %dma_start3A_261 = arith.constant 0 : i32
      %dma_start3A_262 = tpu.memref_slice %arg4[%add3A_255, %dma_start3A_261] : memref<819200x128xf32, #tpu.memory_space<hbm>> -> memref<256x128xf32, #tpu.memory_space<hbm>>
      %dma_start3A_263 = arith.constant 0 : i32
      %dma_start3A_264 = tpu.memref_slice %arg4[%add3A_255, %dma_start3A_263] : memref<819200x128xf32, #tpu.memory_space<hbm>> -> memref<256x128xf32, #tpu.memory_space<hbm>>
      %dma_start3A_265 = arith.constant 0 : i32
      %dma_start3A_266 = arith.constant 0 : i32
      %dma_start3A_267 = tpu.memref_slice %arg6[%dma_start3A_256, %dma_start3A_265, %dma_start3A_266] : memref<3x256x128xf32, #tpu.memory_space<vmem>> -> memref<1x256x128xf32, #tpu.memory_space<vmem>>
      %dma_start3A_268 = tpu.memref_squeeze %dma_start3A_267 : memref<1x256x128xf32, #tpu.memory_space<vmem>> -> memref<256x128xf32, #tpu.memory_space<vmem>>
      tpu.enqueue_dma source(%dma_start3A_268 : memref<256x128xf32, #tpu.memory_space<vmem>>) target(%dma_start3A_264 : memref<256x128xf32, #tpu.memory_space<hbm>>) target_semaphore(%arg11 : memref<!tpu.dma_semaphore, #tpu.memory_space<semaphore_mem>>)
      %mul3A_269 = arith.constant 3 : i32
      %mul3A_270 = arith.muli %scan3A_206, %mul3A_269 : i32
      %add3A_271 = arith.constant 2 : i32
      %add3A_272 = arith.addi %mul3A_270, %add3A_271 : i32
      %mul3A_273 = arith.constant 256 : i32
      %mul3A_274 = arith.muli %add3A_272, %mul3A_273 : i32
      %dma_wait3A_275 = arith.constant 2 : i32
      %dma_wait3A_276 = arith.constant 0 : i32
      %dma_wait3A_277 = arith.constant 0 : i32
      %dma_wait3A_278 = tpu.memref_slice %arg6[%dma_wait3A_275, %dma_wait3A_276, %dma_wait3A_277] : memref<3x256x128xf32, #tpu.memory_space<vmem>> -> memref<1x256x128xf32, #tpu.memory_space<vmem>>
      %dma_wait3A_279 = tpu.memref_squeeze %dma_wait3A_278 : memref<1x256x128xf32, #tpu.memory_space<vmem>> -> memref<256x128xf32, #tpu.memory_space<vmem>>
      %dma_wait3A_280 = tpu.memref_slice %arg5[%mul3A_274] : memref<25600xi32, #tpu.memory_space<vmem>> -> memref<256xi32, #tpu.memory_space<vmem>>
      %dma_wait3A_281 = arith.constant 0 : i32
      %dma_wait3A_282 = arith.constant 0 : i32
      %dma_wait3A_283 = tpu.memref_slice %arg3[%dma_wait3A_281, %dma_wait3A_282] : memref<100000x128xf32, #tpu.memory_space<hbm>> -> memref<100000x128xf32, #tpu.memory_space<hbm>>
      tpu.wait_indirect_dma semaphore(%arg9 : memref<!tpu.dma_semaphore, #tpu.memory_space<semaphore_mem>>) src(%dma_wait3A_283 : memref<100000x128xf32, #tpu.memory_space<hbm>>) dst(%dma_wait3A_279 : memref<256x128xf32, #tpu.memory_space<vmem>>)
      %mul3A_284 = arith.constant 256 : i32
      %mul3A_285 = arith.muli %add3A_272, %mul3A_284 : i32
      %add3A_286 = arith.addi %mul3A_2, %mul3A_285 : i32
      %dma_start3A_287 = arith.constant 2 : i32
      %dma_start3A_288 = arith.constant 0 : i32
      %dma_start3A_289 = arith.constant 0 : i32
      %dma_start3A_290 = tpu.memref_slice %arg6[%dma_start3A_287, %dma_start3A_288, %dma_start3A_289] : memref<3x256x128xf32, #tpu.memory_space<vmem>> -> memref<1x256x128xf32, #tpu.memory_space<vmem>>
      %dma_start3A_291 = tpu.memref_squeeze %dma_start3A_290 : memref<1x256x128xf32, #tpu.memory_space<vmem>> -> memref<256x128xf32, #tpu.memory_space<vmem>>
      %dma_start3A_292 = arith.constant 0 : i32
      %dma_start3A_293 = tpu.memref_slice %arg4[%add3A_286, %dma_start3A_292] : memref<819200x128xf32, #tpu.memory_space<hbm>> -> memref<256x128xf32, #tpu.memory_space<hbm>>
      %dma_start3A_294 = arith.constant 0 : i32
      %dma_start3A_295 = tpu.memref_slice %arg4[%add3A_286, %dma_start3A_294] : memref<819200x128xf32, #tpu.memory_space<hbm>> -> memref<256x128xf32, #tpu.memory_space<hbm>>
      %dma_start3A_296 = arith.constant 0 : i32
      %dma_start3A_297 = arith.constant 0 : i32
      %dma_start3A_298 = tpu.memref_slice %arg6[%dma_start3A_287, %dma_start3A_296, %dma_start3A_297] : memref<3x256x128xf32, #tpu.memory_space<vmem>> -> memref<1x256x128xf32, #tpu.memory_space<vmem>>
      %dma_start3A_299 = tpu.memref_squeeze %dma_start3A_298 : memref<1x256x128xf32, #tpu.memory_space<vmem>> -> memref<256x128xf32, #tpu.memory_space<vmem>>
      tpu.enqueue_dma source(%dma_start3A_299 : memref<256x128xf32, #tpu.memory_space<vmem>>) target(%dma_start3A_295 : memref<256x128xf32, #tpu.memory_space<hbm>>) target_semaphore(%arg12 : memref<!tpu.dma_semaphore, #tpu.memory_space<semaphore_mem>>)
      %mul3A_300 = arith.constant 3 : i32
      %mul3A_301 = arith.muli %scan3A_206, %mul3A_300 : i32
      %add3A_302 = arith.constant 0 : i32
      %add3A_303 = arith.addi %mul3A_301, %add3A_302 : i32
      %mul3A_304 = arith.constant 256 : i32
      %mul3A_305 = arith.muli %add3A_303, %mul3A_304 : i32
      %add3A_306 = arith.addi %mul3A_2, %mul3A_305 : i32
      %dma_wait3A_307 = arith.constant 0 : i32
      %dma_wait3A_308 = arith.constant 0 : i32
      %dma_wait3A_309 = arith.constant 0 : i32
      %dma_wait3A_310 = tpu.memref_slice %arg6[%dma_wait3A_307, %dma_wait3A_308, %dma_wait3A_309] : memref<3x256x128xf32, #tpu.memory_space<vmem>> -> memref<1x256x128xf32, #tpu.memory_space<vmem>>
      %dma_wait3A_311 = tpu.memref_squeeze %dma_wait3A_310 : memref<1x256x128xf32, #tpu.memory_space<vmem>> -> memref<256x128xf32, #tpu.memory_space<vmem>>
      %dma_wait3A_312 = arith.constant 0 : i32
      %dma_wait3A_313 = tpu.memref_slice %arg4[%add3A_306, %dma_wait3A_312] : memref<819200x128xf32, #tpu.memory_space<hbm>> -> memref<256x128xf32, #tpu.memory_space<hbm>>
      %dma_wait3A_314 = arith.constant 0 : i32
      %dma_wait3A_315 = tpu.memref_slice %arg4[%add3A_306, %dma_wait3A_314] : memref<819200x128xf32, #tpu.memory_space<hbm>> -> memref<256x128xf32, #tpu.memory_space<hbm>>
      %dma_wait3A_316 = arith.constant 0 : i32
      %dma_wait3A_317 = arith.constant 0 : i32
      %dma_wait3A_318 = tpu.memref_slice %arg6[%dma_wait3A_307, %dma_wait3A_316, %dma_wait3A_317] : memref<3x256x128xf32, #tpu.memory_space<vmem>> -> memref<1x256x128xf32, #tpu.memory_space<vmem>>
      %dma_wait3A_319 = tpu.memref_squeeze %dma_wait3A_318 : memref<1x256x128xf32, #tpu.memory_space<vmem>> -> memref<256x128xf32, #tpu.memory_space<vmem>>
      tpu.wait_dma2 semaphore(%arg10 : memref<!tpu.dma_semaphore, #tpu.memory_space<semaphore_mem>>) src(%dma_wait3A_319 : memref<256x128xf32, #tpu.memory_space<vmem>>) dst(%dma_wait3A_315 : memref<256x128xf32, #tpu.memory_space<hbm>>)
      %add3A_320 = arith.constant 3 : i32
      %add3A_321 = arith.addi %add3A_303, %add3A_320 : i32
      %mul3A_322 = arith.constant 256 : i32
      %mul3A_323 = arith.muli %add3A_321, %mul3A_322 : i32
      %dma_start3A_324 = arith.constant 0 : i32
      %dma_start3A_325 = arith.constant 0 : i32
      %dma_start3A_326 = arith.constant 0 : i32
      %dma_start3A_327 = tpu.memref_slice %arg6[%dma_start3A_324, %dma_start3A_325, %dma_start3A_326] : memref<3x256x128xf32, #tpu.memory_space<vmem>> -> memref<1x256x128xf32, #tpu.memory_space<vmem>>
      %dma_start3A_328 = tpu.memref_squeeze %dma_start3A_327 : memref<1x256x128xf32, #tpu.memory_space<vmem>> -> memref<256x128xf32, #tpu.memory_space<vmem>>
      %dma_start3A_329 = tpu.memref_slice %arg5[%mul3A_323] : memref<25600xi32, #tpu.memory_space<vmem>> -> memref<256xi32, #tpu.memory_space<vmem>>
      %dma_start3A_330 = arith.constant 0 : i32
      %dma_start3A_331 = arith.constant 0 : i32
      %dma_start3A_332 = tpu.memref_slice %arg3[%dma_start3A_330, %dma_start3A_331] : memref<100000x128xf32, #tpu.memory_space<hbm>> -> memref<100000x128xf32, #tpu.memory_space<hbm>>
      tpu.enqueue_indirect_dma source(%dma_start3A_332 : memref<100000x128xf32, #tpu.memory_space<hbm>>) target(%dma_start3A_328 : memref<256x128xf32, #tpu.memory_space<vmem>>) offsets(%dma_start3A_329 : memref<256xi32, #tpu.memory_space<vmem>>) semaphore(%arg7 : memref<!tpu.dma_semaphore, #tpu.memory_space<semaphore_mem>>)
      %mul3A_333 = arith.constant 3 : i32
      %mul3A_334 = arith.muli %scan3A_206, %mul3A_333 : i32
      %add3A_335 = arith.constant 1 : i32
      %add3A_336 = arith.addi %mul3A_334, %add3A_335 : i32
      %mul3A_337 = arith.constant 256 : i32
      %mul3A_338 = arith.muli %add3A_336, %mul3A_337 : i32
      %add3A_339 = arith.addi %mul3A_2, %mul3A_338 : i32
      %dma_wait3A_340 = arith.constant 1 : i32
      %dma_wait3A_341 = arith.constant 0 : i32
      %dma_wait3A_342 = arith.constant 0 : i32
      %dma_wait3A_343 = tpu.memref_slice %arg6[%dma_wait3A_340, %dma_wait3A_341, %dma_wait3A_342] : memref<3x256x128xf32, #tpu.memory_space<vmem>> -> memref<1x256x128xf32, #tpu.memory_space<vmem>>
      %dma_wait3A_344 = tpu.memref_squeeze %dma_wait3A_343 : memref<1x256x128xf32, #tpu.memory_space<vmem>> -> memref<256x128xf32, #tpu.memory_space<vmem>>
      %dma_wait3A_345 = arith.constant 0 : i32
      %dma_wait3A_346 = tpu.memref_slice %arg4[%add3A_339, %dma_wait3A_345] : memref<819200x128xf32, #tpu.memory_space<hbm>> -> memref<256x128xf32, #tpu.memory_space<hbm>>
      %dma_wait3A_347 = arith.constant 0 : i32
      %dma_wait3A_348 = tpu.memref_slice %arg4[%add3A_339, %dma_wait3A_347] : memref<819200x128xf32, #tpu.memory_space<hbm>> -> memref<256x128xf32, #tpu.memory_space<hbm>>
      %dma_wait3A_349 = arith.constant 0 : i32
      %dma_wait3A_350 = arith.constant 0 : i32
      %dma_wait3A_351 = tpu.memref_slice %arg6[%dma_wait3A_340, %dma_wait3A_349, %dma_wait3A_350] : memref<3x256x128xf32, #tpu.memory_space<vmem>> -> memref<1x256x128xf32, #tpu.memory_space<vmem>>
      %dma_wait3A_352 = tpu.memref_squeeze %dma_wait3A_351 : memref<1x256x128xf32, #tpu.memory_space<vmem>> -> memref<256x128xf32, #tpu.memory_space<vmem>>
      tpu.wait_dma2 semaphore(%arg11 : memref<!tpu.dma_semaphore, #tpu.memory_space<semaphore_mem>>) src(%dma_wait3A_352 : memref<256x128xf32, #tpu.memory_space<vmem>>) dst(%dma_wait3A_348 : memref<256x128xf32, #tpu.memory_space<hbm>>)
      %add3A_353 = arith.constant 3 : i32
      %add3A_354 = arith.addi %add3A_336, %add3A_353 : i32
      %mul3A_355 = arith.constant 256 : i32
      %mul3A_356 = arith.muli %add3A_354, %mul3A_355 : i32
      %dma_start3A_357 = arith.constant 1 : i32
      %dma_start3A_358 = arith.constant 0 : i32
      %dma_start3A_359 = arith.constant 0 : i32
      %dma_start3A_360 = tpu.memref_slice %arg6[%dma_start3A_357, %dma_start3A_358, %dma_start3A_359] : memref<3x256x128xf32, #tpu.memory_space<vmem>> -> memref<1x256x128xf32, #tpu.memory_space<vmem>>
      %dma_start3A_361 = tpu.memref_squeeze %dma_start3A_360 : memref<1x256x128xf32, #tpu.memory_space<vmem>> -> memref<256x128xf32, #tpu.memory_space<vmem>>
      %dma_start3A_362 = tpu.memref_slice %arg5[%mul3A_356] : memref<25600xi32, #tpu.memory_space<vmem>> -> memref<256xi32, #tpu.memory_space<vmem>>
      %dma_start3A_363 = arith.constant 0 : i32
      %dma_start3A_364 = arith.constant 0 : i32
      %dma_start3A_365 = tpu.memref_slice %arg3[%dma_start3A_363, %dma_start3A_364] : memref<100000x128xf32, #tpu.memory_space<hbm>> -> memref<100000x128xf32, #tpu.memory_space<hbm>>
      tpu.enqueue_indirect_dma source(%dma_start3A_365 : memref<100000x128xf32, #tpu.memory_space<hbm>>) target(%dma_start3A_361 : memref<256x128xf32, #tpu.memory_space<vmem>>) offsets(%dma_start3A_362 : memref<256xi32, #tpu.memory_space<vmem>>) semaphore(%arg8 : memref<!tpu.dma_semaphore, #tpu.memory_space<semaphore_mem>>)
      %mul3A_366 = arith.constant 3 : i32
      %mul3A_367 = arith.muli %scan3A_206, %mul3A_366 : i32
      %add3A_368 = arith.constant 2 : i32
      %add3A_369 = arith.addi %mul3A_367, %add3A_368 : i32
      %mul3A_370 = arith.constant 256 : i32
      %mul3A_371 = arith.muli %add3A_369, %mul3A_370 : i32
      %add3A_372 = arith.addi %mul3A_2, %mul3A_371 : i32
      %dma_wait3A_373 = arith.constant 2 : i32
      %dma_wait3A_374 = arith.constant 0 : i32
      %dma_wait3A_375 = arith.constant 0 : i32
      %dma_wait3A_376 = tpu.memref_slice %arg6[%dma_wait3A_373, %dma_wait3A_374, %dma_wait3A_375] : memref<3x256x128xf32, #tpu.memory_space<vmem>> -> memref<1x256x128xf32, #tpu.memory_space<vmem>>
      %dma_wait3A_377 = tpu.memref_squeeze %dma_wait3A_376 : memref<1x256x128xf32, #tpu.memory_space<vmem>> -> memref<256x128xf32, #tpu.memory_space<vmem>>
      %dma_wait3A_378 = arith.constant 0 : i32
      %dma_wait3A_379 = tpu.memref_slice %arg4[%add3A_372, %dma_wait3A_378] : memref<819200x128xf32, #tpu.memory_space<hbm>> -> memref<256x128xf32, #tpu.memory_space<hbm>>
      %dma_wait3A_380 = arith.constant 0 : i32
      %dma_wait3A_381 = tpu.memref_slice %arg4[%add3A_372, %dma_wait3A_380] : memref<819200x128xf32, #tpu.memory_space<hbm>> -> memref<256x128xf32, #tpu.memory_space<hbm>>
      %dma_wait3A_382 = arith.constant 0 : i32
      %dma_wait3A_383 = arith.constant 0 : i32
      %dma_wait3A_384 = tpu.memref_slice %arg6[%dma_wait3A_373, %dma_wait3A_382, %dma_wait3A_383] : memref<3x256x128xf32, #tpu.memory_space<vmem>> -> memref<1x256x128xf32, #tpu.memory_space<vmem>>
      %dma_wait3A_385 = tpu.memref_squeeze %dma_wait3A_384 : memref<1x256x128xf32, #tpu.memory_space<vmem>> -> memref<256x128xf32, #tpu.memory_space<vmem>>
      tpu.wait_dma2 semaphore(%arg12 : memref<!tpu.dma_semaphore, #tpu.memory_space<semaphore_mem>>) src(%dma_wait3A_385 : memref<256x128xf32, #tpu.memory_space<vmem>>) dst(%dma_wait3A_381 : memref<256x128xf32, #tpu.memory_space<hbm>>)
      %add3A_386 = arith.constant 3 : i32
      %add3A_387 = arith.addi %add3A_369, %add3A_386 : i32
      %mul3A_388 = arith.constant 256 : i32
      %mul3A_389 = arith.muli %add3A_387, %mul3A_388 : i32
      %dma_start3A_390 = arith.constant 2 : i32
      %dma_start3A_391 = arith.constant 0 : i32
      %dma_start3A_392 = arith.constant 0 : i32
      %dma_start3A_393 = tpu.memref_slice %arg6[%dma_start3A_390, %dma_start3A_391, %dma_start3A_392] : memref<3x256x128xf32, #tpu.memory_space<vmem>> -> memref<1x256x128xf32, #tpu.memory_space<vmem>>
      %dma_start3A_394 = tpu.memref_squeeze %dma_start3A_393 : memref<1x256x128xf32, #tpu.memory_space<vmem>> -> memref<256x128xf32, #tpu.memory_space<vmem>>
      %dma_start3A_395 = tpu.memref_slice %arg5[%mul3A_389] : memref<25600xi32, #tpu.memory_space<vmem>> -> memref<256xi32, #tpu.memory_space<vmem>>
      %dma_start3A_396 = arith.constant 0 : i32
      %dma_start3A_397 = arith.constant 0 : i32
      %dma_start3A_398 = tpu.memref_slice %arg3[%dma_start3A_396, %dma_start3A_397] : memref<100000x128xf32, #tpu.memory_space<hbm>> -> memref<100000x128xf32, #tpu.memory_space<hbm>>
      tpu.enqueue_indirect_dma source(%dma_start3A_398 : memref<100000x128xf32, #tpu.memory_space<hbm>>) target(%dma_start3A_394 : memref<256x128xf32, #tpu.memory_space<vmem>>) offsets(%dma_start3A_395 : memref<256xi32, #tpu.memory_space<vmem>>) semaphore(%arg9 : memref<!tpu.dma_semaphore, #tpu.memory_space<semaphore_mem>>)
    }
    %scan3A_36 = arith.constant 32 : i32
    %dma_wait3A = arith.constant 0 : i32
    %dma_wait3A_37 = arith.constant 0 : i32
    %dma_wait3A_38 = arith.constant 0 : i32
    %dma_wait3A_39 = tpu.memref_slice %arg6[%dma_wait3A, %dma_wait3A_37, %dma_wait3A_38] : memref<3x256x128xf32, #tpu.memory_space<vmem>> -> memref<1x256x128xf32, #tpu.memory_space<vmem>>
    %dma_wait3A_40 = tpu.memref_squeeze %dma_wait3A_39 : memref<1x256x128xf32, #tpu.memory_space<vmem>> -> memref<256x128xf32, #tpu.memory_space<vmem>>
    %dma_wait3A_41 = arith.constant 24576 : i32
    %dma_wait3A_42 = tpu.memref_slice %arg5[%dma_wait3A_41] : memref<25600xi32, #tpu.memory_space<vmem>> -> memref<256xi32, #tpu.memory_space<vmem>>
    %dma_wait3A_43 = arith.constant 0 : i32
    %dma_wait3A_44 = arith.constant 0 : i32
    %dma_wait3A_45 = tpu.memref_slice %arg3[%dma_wait3A_43, %dma_wait3A_44] : memref<100000x128xf32, #tpu.memory_space<hbm>> -> memref<100000x128xf32, #tpu.memory_space<hbm>>
    tpu.wait_indirect_dma semaphore(%arg7 : memref<!tpu.dma_semaphore, #tpu.memory_space<semaphore_mem>>) src(%dma_wait3A_45 : memref<100000x128xf32, #tpu.memory_space<hbm>>) dst(%dma_wait3A_40 : memref<256x128xf32, #tpu.memory_space<vmem>>)
    %add3A_46 = arith.constant 24576 : i32
    %add3A_47 = arith.addi %mul3A_2, %add3A_46 : i32
    %dma_start3A_48 = arith.constant 0 : i32
    %dma_start3A_49 = arith.constant 0 : i32
    %dma_start3A_50 = arith.constant 0 : i32
    %dma_start3A_51 = tpu.memref_slice %arg6[%dma_start3A_48, %dma_start3A_49, %dma_start3A_50] : memref<3x256x128xf32, #tpu.memory_space<vmem>> -> memref<1x256x128xf32, #tpu.memory_space<vmem>>
    %dma_start3A_52 = tpu.memref_squeeze %dma_start3A_51 : memref<1x256x128xf32, #tpu.memory_space<vmem>> -> memref<256x128xf32, #tpu.memory_space<vmem>>
    %dma_start3A_53 = arith.constant 0 : i32
    %dma_start3A_54 = tpu.memref_slice %arg4[%add3A_47, %dma_start3A_53] : memref<819200x128xf32, #tpu.memory_space<hbm>> -> memref<256x128xf32, #tpu.memory_space<hbm>>
    %dma_start3A_55 = arith.constant 0 : i32
    %dma_start3A_56 = tpu.memref_slice %arg4[%add3A_47, %dma_start3A_55] : memref<819200x128xf32, #tpu.memory_space<hbm>> -> memref<256x128xf32, #tpu.memory_space<hbm>>
    %dma_start3A_57 = arith.constant 0 : i32
    %dma_start3A_58 = arith.constant 0 : i32
    %dma_start3A_59 = tpu.memref_slice %arg6[%dma_start3A_48, %dma_start3A_57, %dma_start3A_58] : memref<3x256x128xf32, #tpu.memory_space<vmem>> -> memref<1x256x128xf32, #tpu.memory_space<vmem>>
    %dma_start3A_60 = tpu.memref_squeeze %dma_start3A_59 : memref<1x256x128xf32, #tpu.memory_space<vmem>> -> memref<256x128xf32, #tpu.memory_space<vmem>>
    tpu.enqueue_dma source(%dma_start3A_60 : memref<256x128xf32, #tpu.memory_space<vmem>>) target(%dma_start3A_56 : memref<256x128xf32, #tpu.memory_space<hbm>>) target_semaphore(%arg10 : memref<!tpu.dma_semaphore, #tpu.memory_space<semaphore_mem>>)
    %dma_wait3A_61 = arith.constant 1 : i32
    %dma_wait3A_62 = arith.constant 0 : i32
    %dma_wait3A_63 = arith.constant 0 : i32
    %dma_wait3A_64 = tpu.memref_slice %arg6[%dma_wait3A_61, %dma_wait3A_62, %dma_wait3A_63] : memref<3x256x128xf32, #tpu.memory_space<vmem>> -> memref<1x256x128xf32, #tpu.memory_space<vmem>>
    %dma_wait3A_65 = tpu.memref_squeeze %dma_wait3A_64 : memref<1x256x128xf32, #tpu.memory_space<vmem>> -> memref<256x128xf32, #tpu.memory_space<vmem>>
    %dma_wait3A_66 = arith.constant 24832 : i32
    %dma_wait3A_67 = tpu.memref_slice %arg5[%dma_wait3A_66] : memref<25600xi32, #tpu.memory_space<vmem>> -> memref<256xi32, #tpu.memory_space<vmem>>
    %dma_wait3A_68 = arith.constant 0 : i32
    %dma_wait3A_69 = arith.constant 0 : i32
    %dma_wait3A_70 = tpu.memref_slice %arg3[%dma_wait3A_68, %dma_wait3A_69] : memref<100000x128xf32, #tpu.memory_space<hbm>> -> memref<100000x128xf32, #tpu.memory_space<hbm>>
    tpu.wait_indirect_dma semaphore(%arg8 : memref<!tpu.dma_semaphore, #tpu.memory_space<semaphore_mem>>) src(%dma_wait3A_70 : memref<100000x128xf32, #tpu.memory_space<hbm>>) dst(%dma_wait3A_65 : memref<256x128xf32, #tpu.memory_space<vmem>>)
    %add3A_71 = arith.constant 24832 : i32
    %add3A_72 = arith.addi %mul3A_2, %add3A_71 : i32
    %dma_start3A_73 = arith.constant 1 : i32
    %dma_start3A_74 = arith.constant 0 : i32
    %dma_start3A_75 = arith.constant 0 : i32
    %dma_start3A_76 = tpu.memref_slice %arg6[%dma_start3A_73, %dma_start3A_74, %dma_start3A_75] : memref<3x256x128xf32, #tpu.memory_space<vmem>> -> memref<1x256x128xf32, #tpu.memory_space<vmem>>
    %dma_start3A_77 = tpu.memref_squeeze %dma_start3A_76 : memref<1x256x128xf32, #tpu.memory_space<vmem>> -> memref<256x128xf32, #tpu.memory_space<vmem>>
    %dma_start3A_78 = arith.constant 0 : i32
    %dma_start3A_79 = tpu.memref_slice %arg4[%add3A_72, %dma_start3A_78] : memref<819200x128xf32, #tpu.memory_space<hbm>> -> memref<256x128xf32, #tpu.memory_space<hbm>>
    %dma_start3A_80 = arith.constant 0 : i32
    %dma_start3A_81 = tpu.memref_slice %arg4[%add3A_72, %dma_start3A_80] : memref<819200x128xf32, #tpu.memory_space<hbm>> -> memref<256x128xf32, #tpu.memory_space<hbm>>
    %dma_start3A_82 = arith.constant 0 : i32
    %dma_start3A_83 = arith.constant 0 : i32
    %dma_start3A_84 = tpu.memref_slice %arg6[%dma_start3A_73, %dma_start3A_82, %dma_start3A_83] : memref<3x256x128xf32, #tpu.memory_space<vmem>> -> memref<1x256x128xf32, #tpu.memory_space<vmem>>
    %dma_start3A_85 = tpu.memref_squeeze %dma_start3A_84 : memref<1x256x128xf32, #tpu.memory_space<vmem>> -> memref<256x128xf32, #tpu.memory_space<vmem>>
    tpu.enqueue_dma source(%dma_start3A_85 : memref<256x128xf32, #tpu.memory_space<vmem>>) target(%dma_start3A_81 : memref<256x128xf32, #tpu.memory_space<hbm>>) target_semaphore(%arg11 : memref<!tpu.dma_semaphore, #tpu.memory_space<semaphore_mem>>)
    %dma_wait3A_86 = arith.constant 2 : i32
    %dma_wait3A_87 = arith.constant 0 : i32
    %dma_wait3A_88 = arith.constant 0 : i32
    %dma_wait3A_89 = tpu.memref_slice %arg6[%dma_wait3A_86, %dma_wait3A_87, %dma_wait3A_88] : memref<3x256x128xf32, #tpu.memory_space<vmem>> -> memref<1x256x128xf32, #tpu.memory_space<vmem>>
    %dma_wait3A_90 = tpu.memref_squeeze %dma_wait3A_89 : memref<1x256x128xf32, #tpu.memory_space<vmem>> -> memref<256x128xf32, #tpu.memory_space<vmem>>
    %dma_wait3A_91 = arith.constant 25088 : i32
    %dma_wait3A_92 = tpu.memref_slice %arg5[%dma_wait3A_91] : memref<25600xi32, #tpu.memory_space<vmem>> -> memref<256xi32, #tpu.memory_space<vmem>>
    %dma_wait3A_93 = arith.constant 0 : i32
    %dma_wait3A_94 = arith.constant 0 : i32
    %dma_wait3A_95 = tpu.memref_slice %arg3[%dma_wait3A_93, %dma_wait3A_94] : memref<100000x128xf32, #tpu.memory_space<hbm>> -> memref<100000x128xf32, #tpu.memory_space<hbm>>
    tpu.wait_indirect_dma semaphore(%arg9 : memref<!tpu.dma_semaphore, #tpu.memory_space<semaphore_mem>>) src(%dma_wait3A_95 : memref<100000x128xf32, #tpu.memory_space<hbm>>) dst(%dma_wait3A_90 : memref<256x128xf32, #tpu.memory_space<vmem>>)
    %add3A_96 = arith.constant 25088 : i32
    %add3A_97 = arith.addi %mul3A_2, %add3A_96 : i32
    %dma_start3A_98 = arith.constant 2 : i32
    %dma_start3A_99 = arith.constant 0 : i32
    %dma_start3A_100 = arith.constant 0 : i32
    %dma_start3A_101 = tpu.memref_slice %arg6[%dma_start3A_98, %dma_start3A_99, %dma_start3A_100] : memref<3x256x128xf32, #tpu.memory_space<vmem>> -> memref<1x256x128xf32, #tpu.memory_space<vmem>>
    %dma_start3A_102 = tpu.memref_squeeze %dma_start3A_101 : memref<1x256x128xf32, #tpu.memory_space<vmem>> -> memref<256x128xf32, #tpu.memory_space<vmem>>
    %dma_start3A_103 = arith.constant 0 : i32
    %dma_start3A_104 = tpu.memref_slice %arg4[%add3A_97, %dma_start3A_103] : memref<819200x128xf32, #tpu.memory_space<hbm>> -> memref<256x128xf32, #tpu.memory_space<hbm>>
    %dma_start3A_105 = arith.constant 0 : i32
    %dma_start3A_106 = tpu.memref_slice %arg4[%add3A_97, %dma_start3A_105] : memref<819200x128xf32, #tpu.memory_space<hbm>> -> memref<256x128xf32, #tpu.memory_space<hbm>>
    %dma_start3A_107 = arith.constant 0 : i32
    %dma_start3A_108 = arith.constant 0 : i32
    %dma_start3A_109 = tpu.memref_slice %arg6[%dma_start3A_98, %dma_start3A_107, %dma_start3A_108] : memref<3x256x128xf32, #tpu.memory_space<vmem>> -> memref<1x256x128xf32, #tpu.memory_space<vmem>>
    %dma_start3A_110 = tpu.memref_squeeze %dma_start3A_109 : memref<1x256x128xf32, #tpu.memory_space<vmem>> -> memref<256x128xf32, #tpu.memory_space<vmem>>
    tpu.enqueue_dma source(%dma_start3A_110 : memref<256x128xf32, #tpu.memory_space<vmem>>) target(%dma_start3A_106 : memref<256x128xf32, #tpu.memory_space<hbm>>) target_semaphore(%arg12 : memref<!tpu.dma_semaphore, #tpu.memory_space<semaphore_mem>>)
    %add3A_111 = arith.constant 24576 : i32
    %add3A_112 = arith.addi %mul3A_2, %add3A_111 : i32
    %dma_wait3A_113 = arith.constant 0 : i32
    %dma_wait3A_114 = arith.constant 0 : i32
    %dma_wait3A_115 = arith.constant 0 : i32
    %dma_wait3A_116 = tpu.memref_slice %arg6[%dma_wait3A_113, %dma_wait3A_114, %dma_wait3A_115] : memref<3x256x128xf32, #tpu.memory_space<vmem>> -> memref<1x256x128xf32, #tpu.memory_space<vmem>>
    %dma_wait3A_117 = tpu.memref_squeeze %dma_wait3A_116 : memref<1x256x128xf32, #tpu.memory_space<vmem>> -> memref<256x128xf32, #tpu.memory_space<vmem>>
    %dma_wait3A_118 = arith.constant 0 : i32
    %dma_wait3A_119 = tpu.memref_slice %arg4[%add3A_112, %dma_wait3A_118] : memref<819200x128xf32, #tpu.memory_space<hbm>> -> memref<256x128xf32, #tpu.memory_space<hbm>>
    %dma_wait3A_120 = arith.constant 0 : i32
    %dma_wait3A_121 = tpu.memref_slice %arg4[%add3A_112, %dma_wait3A_120] : memref<819200x128xf32, #tpu.memory_space<hbm>> -> memref<256x128xf32, #tpu.memory_space<hbm>>
    %dma_wait3A_122 = arith.constant 0 : i32
    %dma_wait3A_123 = arith.constant 0 : i32
    %dma_wait3A_124 = tpu.memref_slice %arg6[%dma_wait3A_113, %dma_wait3A_122, %dma_wait3A_123] : memref<3x256x128xf32, #tpu.memory_space<vmem>> -> memref<1x256x128xf32, #tpu.memory_space<vmem>>
    %dma_wait3A_125 = tpu.memref_squeeze %dma_wait3A_124 : memref<1x256x128xf32, #tpu.memory_space<vmem>> -> memref<256x128xf32, #tpu.memory_space<vmem>>
    tpu.wait_dma2 semaphore(%arg10 : memref<!tpu.dma_semaphore, #tpu.memory_space<semaphore_mem>>) src(%dma_wait3A_125 : memref<256x128xf32, #tpu.memory_space<vmem>>) dst(%dma_wait3A_121 : memref<256x128xf32, #tpu.memory_space<hbm>>)
    %dma_start3A_126 = arith.constant 0 : i32
    %dma_start3A_127 = arith.constant 0 : i32
    %dma_start3A_128 = arith.constant 0 : i32
    %dma_start3A_129 = tpu.memref_slice %arg6[%dma_start3A_126, %dma_start3A_127, %dma_start3A_128] : memref<3x256x128xf32, #tpu.memory_space<vmem>> -> memref<1x256x128xf32, #tpu.memory_space<vmem>>
    %dma_start3A_130 = tpu.memref_squeeze %dma_start3A_129 : memref<1x256x128xf32, #tpu.memory_space<vmem>> -> memref<256x128xf32, #tpu.memory_space<vmem>>
    %dma_start3A_131 = arith.constant 25344 : i32
    %dma_start3A_132 = tpu.memref_slice %arg5[%dma_start3A_131] : memref<25600xi32, #tpu.memory_space<vmem>> -> memref<256xi32, #tpu.memory_space<vmem>>
    %dma_start3A_133 = arith.constant 0 : i32
    %dma_start3A_134 = arith.constant 0 : i32
    %dma_start3A_135 = tpu.memref_slice %arg3[%dma_start3A_133, %dma_start3A_134] : memref<100000x128xf32, #tpu.memory_space<hbm>> -> memref<100000x128xf32, #tpu.memory_space<hbm>>
    tpu.enqueue_indirect_dma source(%dma_start3A_135 : memref<100000x128xf32, #tpu.memory_space<hbm>>) target(%dma_start3A_130 : memref<256x128xf32, #tpu.memory_space<vmem>>) offsets(%dma_start3A_132 : memref<256xi32, #tpu.memory_space<vmem>>) semaphore(%arg7 : memref<!tpu.dma_semaphore, #tpu.memory_space<semaphore_mem>>)
    %dma_wait3A_136 = arith.constant 0 : i32
    %dma_wait3A_137 = arith.constant 0 : i32
    %dma_wait3A_138 = arith.constant 0 : i32
    %dma_wait3A_139 = tpu.memref_slice %arg6[%dma_wait3A_136, %dma_wait3A_137, %dma_wait3A_138] : memref<3x256x128xf32, #tpu.memory_space<vmem>> -> memref<1x256x128xf32, #tpu.memory_space<vmem>>
    %dma_wait3A_140 = tpu.memref_squeeze %dma_wait3A_139 : memref<1x256x128xf32, #tpu.memory_space<vmem>> -> memref<256x128xf32, #tpu.memory_space<vmem>>
    %dma_wait3A_141 = arith.constant 25344 : i32
    %dma_wait3A_142 = tpu.memref_slice %arg5[%dma_wait3A_141] : memref<25600xi32, #tpu.memory_space<vmem>> -> memref<256xi32, #tpu.memory_space<vmem>>
    %dma_wait3A_143 = arith.constant 0 : i32
    %dma_wait3A_144 = arith.constant 0 : i32
    %dma_wait3A_145 = tpu.memref_slice %arg3[%dma_wait3A_143, %dma_wait3A_144] : memref<100000x128xf32, #tpu.memory_space<hbm>> -> memref<100000x128xf32, #tpu.memory_space<hbm>>
    tpu.wait_indirect_dma semaphore(%arg7 : memref<!tpu.dma_semaphore, #tpu.memory_space<semaphore_mem>>) src(%dma_wait3A_145 : memref<100000x128xf32, #tpu.memory_space<hbm>>) dst(%dma_wait3A_140 : memref<256x128xf32, #tpu.memory_space<vmem>>)
    %add3A_146 = arith.constant 25344 : i32
    %add3A_147 = arith.addi %mul3A_2, %add3A_146 : i32
    %dma_start3A_148 = arith.constant 0 : i32
    %dma_start3A_149 = arith.constant 0 : i32
    %dma_start3A_150 = arith.constant 0 : i32
    %dma_start3A_151 = tpu.memref_slice %arg6[%dma_start3A_148, %dma_start3A_149, %dma_start3A_150] : memref<3x256x128xf32, #tpu.memory_space<vmem>> -> memref<1x256x128xf32, #tpu.memory_space<vmem>>
    %dma_start3A_152 = tpu.memref_squeeze %dma_start3A_151 : memref<1x256x128xf32, #tpu.memory_space<vmem>> -> memref<256x128xf32, #tpu.memory_space<vmem>>
    %dma_start3A_153 = arith.constant 0 : i32
    %dma_start3A_154 = tpu.memref_slice %arg4[%add3A_147, %dma_start3A_153] : memref<819200x128xf32, #tpu.memory_space<hbm>> -> memref<256x128xf32, #tpu.memory_space<hbm>>
    %dma_start3A_155 = arith.constant 0 : i32
    %dma_start3A_156 = tpu.memref_slice %arg4[%add3A_147, %dma_start3A_155] : memref<819200x128xf32, #tpu.memory_space<hbm>> -> memref<256x128xf32, #tpu.memory_space<hbm>>
    %dma_start3A_157 = arith.constant 0 : i32
    %dma_start3A_158 = arith.constant 0 : i32
    %dma_start3A_159 = tpu.memref_slice %arg6[%dma_start3A_148, %dma_start3A_157, %dma_start3A_158] : memref<3x256x128xf32, #tpu.memory_space<vmem>> -> memref<1x256x128xf32, #tpu.memory_space<vmem>>
    %dma_start3A_160 = tpu.memref_squeeze %dma_start3A_159 : memref<1x256x128xf32, #tpu.memory_space<vmem>> -> memref<256x128xf32, #tpu.memory_space<vmem>>
    tpu.enqueue_dma source(%dma_start3A_160 : memref<256x128xf32, #tpu.memory_space<vmem>>) target(%dma_start3A_156 : memref<256x128xf32, #tpu.memory_space<hbm>>) target_semaphore(%arg10 : memref<!tpu.dma_semaphore, #tpu.memory_space<semaphore_mem>>)
    %add3A_161 = arith.constant 24832 : i32
    %add3A_162 = arith.addi %mul3A_2, %add3A_161 : i32
    %dma_wait3A_163 = arith.constant 1 : i32
    %dma_wait3A_164 = arith.constant 0 : i32
    %dma_wait3A_165 = arith.constant 0 : i32
    %dma_wait3A_166 = tpu.memref_slice %arg6[%dma_wait3A_163, %dma_wait3A_164, %dma_wait3A_165] : memref<3x256x128xf32, #tpu.memory_space<vmem>> -> memref<1x256x128xf32, #tpu.memory_space<vmem>>
    %dma_wait3A_167 = tpu.memref_squeeze %dma_wait3A_166 : memref<1x256x128xf32, #tpu.memory_space<vmem>> -> memref<256x128xf32, #tpu.memory_space<vmem>>
    %dma_wait3A_168 = arith.constant 0 : i32
    %dma_wait3A_169 = tpu.memref_slice %arg4[%add3A_162, %dma_wait3A_168] : memref<819200x128xf32, #tpu.memory_space<hbm>> -> memref<256x128xf32, #tpu.memory_space<hbm>>
    %dma_wait3A_170 = arith.constant 0 : i32
    %dma_wait3A_171 = tpu.memref_slice %arg4[%add3A_162, %dma_wait3A_170] : memref<819200x128xf32, #tpu.memory_space<hbm>> -> memref<256x128xf32, #tpu.memory_space<hbm>>
    %dma_wait3A_172 = arith.constant 0 : i32
    %dma_wait3A_173 = arith.constant 0 : i32
    %dma_wait3A_174 = tpu.memref_slice %arg6[%dma_wait3A_163, %dma_wait3A_172, %dma_wait3A_173] : memref<3x256x128xf32, #tpu.memory_space<vmem>> -> memref<1x256x128xf32, #tpu.memory_space<vmem>>
    %dma_wait3A_175 = tpu.memref_squeeze %dma_wait3A_174 : memref<1x256x128xf32, #tpu.memory_space<vmem>> -> memref<256x128xf32, #tpu.memory_space<vmem>>
    tpu.wait_dma2 semaphore(%arg11 : memref<!tpu.dma_semaphore, #tpu.memory_space<semaphore_mem>>) src(%dma_wait3A_175 : memref<256x128xf32, #tpu.memory_space<vmem>>) dst(%dma_wait3A_171 : memref<256x128xf32, #tpu.memory_space<hbm>>)
    %add3A_176 = arith.constant 25088 : i32
    %add3A_177 = arith.addi %mul3A_2, %add3A_176 : i32
    %dma_wait3A_178 = arith.constant 2 : i32
    %dma_wait3A_179 = arith.constant 0 : i32
    %dma_wait3A_180 = arith.constant 0 : i32
    %dma_wait3A_181 = tpu.memref_slice %arg6[%dma_wait3A_178, %dma_wait3A_179, %dma_wait3A_180] : memref<3x256x128xf32, #tpu.memory_space<vmem>> -> memref<1x256x128xf32, #tpu.memory_space<vmem>>
    %dma_wait3A_182 = tpu.memref_squeeze %dma_wait3A_181 : memref<1x256x128xf32, #tpu.memory_space<vmem>> -> memref<256x128xf32, #tpu.memory_space<vmem>>
    %dma_wait3A_183 = arith.constant 0 : i32
    %dma_wait3A_184 = tpu.memref_slice %arg4[%add3A_177, %dma_wait3A_183] : memref<819200x128xf32, #tpu.memory_space<hbm>> -> memref<256x128xf32, #tpu.memory_space<hbm>>
    %dma_wait3A_185 = arith.constant 0 : i32
    %dma_wait3A_186 = tpu.memref_slice %arg4[%add3A_177, %dma_wait3A_185] : memref<819200x128xf32, #tpu.memory_space<hbm>> -> memref<256x128xf32, #tpu.memory_space<hbm>>
    %dma_wait3A_187 = arith.constant 0 : i32
    %dma_wait3A_188 = arith.constant 0 : i32
    %dma_wait3A_189 = tpu.memref_slice %arg6[%dma_wait3A_178, %dma_wait3A_187, %dma_wait3A_188] : memref<3x256x128xf32, #tpu.memory_space<vmem>> -> memref<1x256x128xf32, #tpu.memory_space<vmem>>
    %dma_wait3A_190 = tpu.memref_squeeze %dma_wait3A_189 : memref<1x256x128xf32, #tpu.memory_space<vmem>> -> memref<256x128xf32, #tpu.memory_space<vmem>>
    tpu.wait_dma2 semaphore(%arg12 : memref<!tpu.dma_semaphore, #tpu.memory_space<semaphore_mem>>) src(%dma_wait3A_190 : memref<256x128xf32, #tpu.memory_space<vmem>>) dst(%dma_wait3A_186 : memref<256x128xf32, #tpu.memory_space<hbm>>)
    %add3A_191 = arith.constant 25344 : i32
    %add3A_192 = arith.addi %mul3A_2, %add3A_191 : i32
    %dma_wait3A_193 = arith.constant 0 : i32
    %dma_wait3A_194 = arith.constant 0 : i32
    %dma_wait3A_195 = arith.constant 0 : i32
    %dma_wait3A_196 = tpu.memref_slice %arg6[%dma_wait3A_193, %dma_wait3A_194, %dma_wait3A_195] : memref<3x256x128xf32, #tpu.memory_space<vmem>> -> memref<1x256x128xf32, #tpu.memory_space<vmem>>
    %dma_wait3A_197 = tpu.memref_squeeze %dma_wait3A_196 : memref<1x256x128xf32, #tpu.memory_space<vmem>> -> memref<256x128xf32, #tpu.memory_space<vmem>>
    %dma_wait3A_198 = arith.constant 0 : i32
    %dma_wait3A_199 = tpu.memref_slice %arg4[%add3A_192, %dma_wait3A_198] : memref<819200x128xf32, #tpu.memory_space<hbm>> -> memref<256x128xf32, #tpu.memory_space<hbm>>
    %dma_wait3A_200 = arith.constant 0 : i32
    %dma_wait3A_201 = tpu.memref_slice %arg4[%add3A_192, %dma_wait3A_200] : memref<819200x128xf32, #tpu.memory_space<hbm>> -> memref<256x128xf32, #tpu.memory_space<hbm>>
    %dma_wait3A_202 = arith.constant 0 : i32
    %dma_wait3A_203 = arith.constant 0 : i32
    %dma_wait3A_204 = tpu.memref_slice %arg6[%dma_wait3A_193, %dma_wait3A_202, %dma_wait3A_203] : memref<3x256x128xf32, #tpu.memory_space<vmem>> -> memref<1x256x128xf32, #tpu.memory_space<vmem>>
    %dma_wait3A_205 = tpu.memref_squeeze %dma_wait3A_204 : memref<1x256x128xf32, #tpu.memory_space<vmem>> -> memref<256x128xf32, #tpu.memory_space<vmem>>
    tpu.wait_dma2 semaphore(%arg10 : memref<!tpu.dma_semaphore, #tpu.memory_space<semaphore_mem>>) src(%dma_wait3A_205 : memref<256x128xf32, #tpu.memory_space<vmem>>) dst(%dma_wait3A_201 : memref<256x128xf32, #tpu.memory_space<hbm>>)
    return
  }
}

</mosaic_0001>

<sc_bundles>
// kernel: kernel.3.cloned.1.call-start
scs
__scs_entry_jumppad:
0x0: {  	(pc) =	sbr.rel $0x88, $3  }
0x1: {  	(tag) =	ssettag $0x0;
	lr =	simm.s32 $0x1  }
0x2: {  	[smem:$0x3F9F] =	sst lr;
	_ =	strace $0xD0000000  }
0x3: {  	_ = 	snop  }
0x4: {  	_ = 	snop  }
0x5: {  	_ = 	snop  }
0x6: {  	_ = 	snop  }
0x7: {  	_ = 	snop  }
__scs_overlays_trampoline_lowered:
0x8: {  	[smem:$0x3FAE] =	sst s0  }
0x9: {  	[smem:$0x3FAF] =	sst s1  }
0xa: {  	[smem:$0x3FB0] =	sst s2  }
0xb: {  	[smem:$0x3FB1] =	sst s3  }
0xc: {  	[smem:$0x3FB2] =	sst s4  }
0xd: {  	[smem:$0x3FB3] =	sst s5  }
0xe: {  	[smem:$0x3FB4] =	sst s6  }
0xf: {  	[smem:$0x3FB5] =	sst s7  }
0x10: {  	[smem:$0x3FB6] =	sst s8  }
0x11: {  	[smem:$0x3FB7] =	sst s9;
	s0 =	simm.s32 @!p0 $0x0  }
0x12: {  	s1 =	sld [smem:$0x3F9D];
	s0 =	simm.s32 @p0 $0x1  }
0x13: {  	[smem:$0x3FB8] =	sst s0;
	s0 =	simm.s32 @!p1 $0x0  }
0x14: {  	s2 =	sld [smem:$0x3F9C];
	s0 =	simm.s32 @p1 $0x1  }
0x15: {  	[smem:$0x3FB9] =	sst s0;
	s0 =	simm.s32 @!p2 $0x0  }
0x16: {  	s3 =	sld [smem:$0x3FDB];
	s0 =	simm.s32 @p2 $0x1  }
0x17: {  	s4 =	simm.s32 $0x1BF5;
	[smem:$0x3FBB] =	sst s0  }
0x18: {  	s0 =	sld [smem:$0x3F9E];
	_ =	swait.ge [sflag:s4], $0x0  }
0x19: {  	s7 =	sld [smem:$0x3F9F]  }
0x1a: {  	s8 =	sadd.s32 $0xFFFFE003, lr  }
0x1b: {  	s9 =	sadd.s32 $0xFFFFFEF7, lr;
	s5 =	simm.s32 $0xFFFFFFFF;
	p2 =	slt.u32 s8, $0xFFFFF086  }
0x1c: {  	p1 =	slt.u32 s9, $0xF7A;
	s5 =	simm.s32 @!p2 $0x0  }
0x1d: {  	s5 =	simm.s32 @p1 $0x1;
	p0 =	seq.s32 s7, s2  }
0x1e: {  	s7 =	smul.u32 @!p0 $0xF7A, s2;
	p2 =	seq.s32 @!p0 s5, $0x0  }
0x1f: {  	s9 =	smul.u32 $0xF7A, s1;
	s8 =	simm.s32 @!p0 $0x1BF5;
	p2 =	por !p2, p0  }
0x20: {  	[sflag:s8] =	ssyncset.s32 @!p0 $0xFFFFF086;
	s6 =	sadd.s32 @!p0 s3, s7;
	s7 =	simm.s32 @!p0 $0x108  }
0x21: {  	s3 =	sadd.s32 s3, s9;
	s6 =	sadd.s32 @!p0 $0x88, s6;
	s7 =	simm.s32 @p2 $0x1082  }
0x22: {  	[simem:s7], [sflag:s8] =	dma.local @!p0 [hbm:s6], $0xF7A  }
0x23: {  	s9 =	sor.u32 $0xD0000000, s2;
	s6 =	simm.s32 $0x108;
	_ =	swait.ge @!p0 [sflag:s8], $0x0  }
0x24: {  	s3 =	sadd.s32 $0x88, s3;
	s6 =	simm.s32 @!p1 $0x1082;
	[sflag:s4] =	ssyncset.s32 $0xFFFFF086  }
0x25: {  	[simem:s6], [sflag:s4] =	dma.local [hbm:s3], $0xF7A  }
0x26: {  	[smem:$0x3F9F] =	sst s1;
	(tag) =	ssettag s2;
	_ =	strace s9  }
0x27: {  	s1 =	sld [smem:$0x3FAF]  }
0x28: {  	s2 =	sld [smem:$0x3FB0]  }
0x29: {  	s4 =	sld [smem:$0x3FB2]  }
0x2a: {  	p0 =	seq.s32 s5, $0x0;
	s5 =	sld [smem:$0x3FB3]  }
0x2b: {  	s6 =	sld [smem:$0x3FB4]  }
0x2c: {  	s7 =	sld [smem:$0x3FB5]  }
0x2d: {  	s3 =	simm.s32 $0x108;
	s8 =	sld [smem:$0x3FB6]  }
0x2e: {  	s3 =	simm.s32 @!p0 $0x1082;
	s9 =	sld [smem:$0x3FB7]  }
0x2f: {  	lr =	sadd.s32 s0, s3;
	s0 =	sld [smem:$0x3FAE]  }
0x30: {  	s3 =	sld [smem:$0x3FB1]  }
0x31: {  	[smem:$0x3FBA] =	sst s10  }
0x32: {  	s10 =	sld [smem:$0x3FB8];
	_ =	sdelay $0x3  }
0x33: {  	p0 =	seq.s32 s10, $0x1;
	s10 =	sld [smem:$0x3FBA];
	_ =	sdelay $0x3  }
0x34: {  	[smem:$0x3FBA] =	sst s10  }
0x35: {  	s10 =	sld [smem:$0x3FB9];
	_ =	sdelay $0x3  }
0x36: {  	p1 =	seq.s32 s10, $0x1;
	s10 =	sld [smem:$0x3FBA];
	_ =	sdelay $0x3  }
0x37: {  	[smem:$0x3FBA] =	sst s10  }
0x38: {  	s10 =	sld [smem:$0x3FBB]  }
0x39: {  	_ = 	snop;
	(pc) =	sbr.ind lr, $3  }
0x3a: {  	_ = 	snop  }
0x3b: {  	_ = 	snop  }
0x3c: {  	p2 =	seq.s32 s10, $0x1;
	s10 =	sld [smem:$0x3FBA]  }
0x3d: {  	_ =	shalt  }
0x3e: {  	_ =	shalt  }
0x3f: {  	_ =	shalt  }
0x40: {  	_ =	shalt  }
0x41: {  	_ =	shalt  }
0x42: {  	_ =	shalt  }
0x43: {  	_ =	shalt  }
0x44: {  	_ =	shalt  }
0x45: {  	_ =	shalt  }
0x46: {  	_ =	shalt  }
0x47: {  	_ =	shalt  }
0x48: {  	_ =	shalt  }
0x49: {  	_ =	shalt  }
0x4a: {  	_ =	shalt  }
0x4b: {  	_ =	shalt  }
0x4c: {  	_ =	shalt  }
0x4d: {  	_ =	shalt  }
0x4e: {  	_ =	shalt  }
0x4f: {  	_ =	shalt  }
0x50: {  	_ =	shalt  }
0x51: {  	_ =	shalt  }
0x52: {  	_ =	shalt  }
0x53: {  	_ =	shalt  }
0x54: {  	_ =	shalt  }
0x55: {  	_ =	shalt  }
0x56: {  	_ =	shalt  }
0x57: {  	_ =	shalt  }
0x58: {  	_ =	shalt  }
0x59: {  	_ =	shalt  }
0x5a: {  	_ =	shalt  }
0x5b: {  	_ =	shalt  }
0x5c: {  	_ =	shalt  }
0x5d: {  	_ =	shalt  }
0x5e: {  	_ =	shalt  }
0x5f: {  	_ =	shalt  }
0x60: {  	_ =	shalt  }
0x61: {  	_ =	shalt  }
0x62: {  	_ =	shalt  }
0x63: {  	_ =	shalt  }
0x64: {  	_ =	shalt  }
0x65: {  	_ =	shalt  }
0x66: {  	_ =	shalt  }
0x67: {  	_ =	shalt  }
0x68: {  	_ =	shalt  }
0x69: {  	_ =	shalt  }
0x6a: {  	_ =	shalt  }
0x6b: {  	_ =	shalt  }
0x6c: {  	_ =	shalt  }
0x6d: {  	_ =	shalt  }
0x6e: {  	_ =	shalt  }
0x6f: {  	_ =	shalt  }
0x70: {  	_ =	shalt  }
0x71: {  	_ =	shalt  }
0x72: {  	_ =	shalt  }
0x73: {  	_ =	shalt  }
0x74: {  	_ =	shalt  }
0x75: {  	_ =	shalt  }
0x76: {  	_ =	shalt  }
0x77: {  	_ =	shalt  }
0x78: {  	_ =	shalt  }
0x79: {  	_ =	shalt  }
0x7a: {  	_ =	shalt  }
0x7b: {  	_ =	shalt  }
0x7c: {  	_ =	shalt  }
0x7d: {  	_ =	shalt  }
0x7e: {  	_ =	shalt  }
0x7f: {  	_ =	shalt  }
0x80: {  	_ =	shalt  }
0x81: {  	_ =	shalt  }
0x82: {  	_ =	shalt  }
0x83: {  	_ =	shalt  }
0x84: {  	_ =	shalt  }
0x85: {  	_ =	shalt  }
0x86: {  	_ =	shalt  }
0x87: {  	_ =	shalt  }
.Lfunc_end0:
.L_simem_size_0:
called_computation_lowered:
.L_overlay_start_0:
0x88: {  	s2 =	sld [smem:$0x3FD9]  }
0x89: {  	s3 =	sld [smem:$0x3FFE];
	_ =	sdelay $0x1  }
0x8a: {  	s1 =	srdreg.scid  }
0x8b: {  	s0 =	sand.u32 $0x1, s1  }
0x8c: {  	s17 =	sshll.u32 s0, $0xA;
	s2 =	sadd.s32 s3, s2  }
0x8d: {  	s2 =	sadd.s32 s2, s17  }
0x8e: {  	[smem:$0x3FC6] =	sst s2  }
0x8f: {  	_ = 	snop  }
0x90: {  	s2 =	sld [smem:$0x3FC8]  }
0x91: {  	s18 =	sld [smem:$0x3FD0];
	(tm) =	ssettm $0x1  }
0x92: {  	s4 =	sld [smem:$0x3FFB];
	_ =	sdelay $0x3  }
0x93: {  	_ =	strace s4  }
0x94: {  	s4 =	sld [smem:$0x3FFC];
	_ =	sdelay $0x3  }
0x95: {  	_ =	strace s4  }
0x96: {  	s4 =	sld [smem:$0x3FFD];
	_ =	sdelay $0x3  }
0x97: {  	_ =	strace s4  }
0x98: {  	_ =	strace $0x8FFFFFFF  }
0x99: {  	s19 =	sld [smem:$0x3FDB];
	_ =	sdelay $0x1  }
0x9a: {  	s5 =	simm.s32 $_scs_section_size  }
0x9b: {  	s6 =	simm.s32 $_size__tile_overlayer_lowered;
	s7 =	simm.s32 $_tile_overlayer_lowered  }
0x9c: {  	s22 =	simm.s32 $0x1BFF;
	s21 =	sshll.u32 s7, $0x1;
	s4 =	sadd.s32 s5, s19  }
0x9d: {  	s8 =	simm.s32 $0x0;
	s20 =	sshll.u32 s6, $0x1;
	s6 =	sadd.s32 s21, s4  }
0x9e: {  	[timem:s8], [sflag:s22] =	dma.local [hbm:s6], s20  }
0x9f: {  	_ =	swait.ge [sflag:s22], s20  }
0xa0: {  	s5 =	ssub.s32 $0x0, s20;
	[sflag:s22] =	ssyncset.done $0x0  }
0xa1: {  	[sflag:s22] =	ssyncadd.s32 s5;
	_ =	sdelay $0x1  }
0xa2: {  	s23 =	simm.s32 $0x1B8B  }
0xa3: {  	_ =	swait.ge [sflag:s23], $0x1  }
0xa4: {  	[sflag:s23] =	ssyncset.done $0x0  }
0xa5: {  	s25 =	simm.s32 $0x1B8E;
	s24 =	sld [smem:$0x3FFE];
	[sflag:s23] =	ssyncadd.s32 $0xFFFFFFFF  }
0xa6: {  	s26 =	simm.s32 $execute0_lowered;
	[smem:$0x3FD2] =	sst s25  }
0xa7: {  	s6 =	sshll.u32 s26, $0x1;
	_ =	strace $0x80000046;
	[dreg:$0x1] =	wrdreg $0xFFFFFFFF  }
0xa8: {  	s28 =	simm.s32 $_size_execute0_lowered;
	s4 =	sadd.s32 s4, s6;
	[dreg:$0x0] =	wrdreg $0x0  }
0xa9: {  	s6 =	sshll.u32 s28, $0x1;
	[dreg:$0x2] =	wrdreg s4  }
0xaa: {  	[dreg:$0x3] =	wrdreg s6  }
0xab: {  	[dreg:$0x4] =	wrdreg $0xC0  }
0xac: {  	_ =	task [dreg:s8], $0x5FFFF  }
0xad: {  	[dreg:$0x1] =	wrdreg $0xFFFFFFFF  }
0xae: {  	[dreg:$0x0] =	wrdreg $0x60  }
0xaf: {  	[dreg:$0x2] =	wrdreg s24  }
0xb0: {  	[dreg:$0x3] =	wrdreg s2  }
0xb1: {  	[dreg:$0x4] =	wrdreg s18  }
0xb2: {  	[dreg:$0x5] =	wrdreg $0x9  }
0xb3: {  	_ =	task.clear_ibuf [dreg:s8], $0x6FFFF;
	_ =	strace $0x90000046  }
0xb4: {  	s29 =	simm.s32 $0x9;
	_ =	strace $0x80000048  }
0xb5: {  	_ =	swait.ge [sflag:s29], $0x1  }
0xb6: {  	[sflag:s29] =	ssyncadd.s32 $0xFFFFFFFF  }
0xb7: {  	_ =	strace $0x90000048  }
0xb8: {  	_ =	sfence  }
0xb9: {  	s30 =	sld [smem:$0x0];
	_ =	sdelay $0x2  }
0xba: {  	s31 =	sshll.u32 s1, $0xD;
	s1 =	sshrl.u32 s1, $0x2  }
0xbb: {  	s3 =	sand.u32 $0x4000, s31;
	s1 =	sadd.s32 s1, s30  }
0xbc: {  	s0 =	sor.u32 s3, s0;
	s1 =	sshll.u32 s1, $0x11  }
0xbd: {  	s0 =	sor.u32 s1, s0  }
0xbe: {  	s0 =	sadd.s32 $0x8F2B, s0  }
0xbf: {  	[sflag:s0] =	ssyncadd.remote.s32 $0x1  }
0xc0: {  	_ =	sfence.sel $0xFFFF  }
0xc1: {  	[dreg:$0x0] =	wrdreg $0xFFFFFFFF;
	(pc) =	sbr.abs _section_cstart, $3  }
0xc2: {  	[dreg:$0x1] =	wrdreg $0xFFFFFFFF  }
0xc3: {  	_ =	task.clear_ibuf [dreg:s8], $0x2FFFF;
	_ =	strace $0x9FFFFFFF  }
0xc4: {  	(tm) =	ssettm $0x7FFFFFFF  }
0xc5: {  	_ =	shalt  }
tec
execute0_lowered:
.L_overlay_start_1:
0x0: {  	(tag) =	ssettag $0x1  }
0x1: {  	s1 =	srdreg.scid;
	s4 =	rddreg [dreg:$0x0]  }
0x2: {  	s0 =	stileid.u32;
	s2 =	rddreg [dreg:$0x1]  }
0x3: {  	s7 =	rddreg [dreg:$0x2];
	s3 =	simm.s32 $0x0;
	s13 =	simm.s32 $0x7  }
0x4: {  	s14 =	simm.s32 $0x100;
	s15 =	simm.s32 $0x6400;
	s16 =	simm.s32 $0xE400  }
0x5: {  	s17 =	simm.s32 $0x200;
	s18 =	simm.s32 $0x16400;
	s19 =	simm.s32 $0x1  }
0x6: {  	s20 =	simm.s32 $0x2;
	s21 =	simm.s32 $0x3;
	s22 =	simm.s32 $0x4  }
0x7: {  	s23 =	simm.s32 $0x5;
	s24 =	simm.s32 $0x6;
	s5 =	sand.u32 $0x1, s1  }
0x8: {  	s25 =	sshll.u32 s0, $0x1;
	s26 =	sshrl.u32 s0, $0x2;
	s1 =	rddreg [dreg:$0x3]  }
0x9: {  	[smem:$0x7FF] =	sst s3;
	s30 =	smul.u32 $0xC8000, s0;
	s6 =	sor.u32 s5, s25  }
0xa: {  	s8 =	smul.u32 $0x32000, s26;
	s28 =	ssub.s32 $0x2, s5;
	_ =	strace $0x80000047  }
0xb: {  	s11 =	smul.u32 $0x64000, s5;
	s25 =	simm.s32 $0x6300;
	s26 =	simm.s32 $0x0  }
0xc: {  	s9 =	sshll.u32 s6, $0x7;
	s6 =	smul.u32 $0x320000, s6;
	s12 =	sadd.s32 s30, s7  }
0xd: {  	s29 =	sshrl.u32 s28, $0x1;
	s9 =	sand.u32 $0x380, s9;
	s31 =	sadd.s32 s11, s12  }
0xe: {  	s11 =	simm.s32 $0x80;
	s12 =	simm.s32 $0x400;
	s8 =	sor.u32 s8, s9  }
0xf: {  	s9 =	ssub.s32 s28, s29;
	s6 =	sshrl.u32 s6, $0x3;
	s8 =	sshrl.u32 s8, $0x3  }
0x10: {  	s10 =	sadd.s32 s7, s6;
	s9 =	smax.u32 s9, $0x1;
	s4 =	sadd.s32 s8, s4  }
0x11: {  	s5 =	sadd.s32 $0x60000, s10;
	s6 =	sadd.s32 $0x61000, s10;
	s7 =	sadd.s32 $0x62000, s10  }
0x12: {  	s8 =	sadd.s32 $0x63000, s10;
	s10 =	sadd.s32 $0x2000, s31;
	s4 =	sadd.s32 $0x400, s4  }
.LBB2_1:
0x13: {  	[tilespmem:s3], [sflag:$0x7] =	stream.strided.gather [hbm4b:s4+s11], $0x6400, s12, s11, $0x38;
	[tilespmem:$0x1E400] =	vst v63  }
0x14: {  	_ =	swait.ge [sflag:s13], $0x6400  }
0x15: {  	[sflag:s13] =	ssyncset.done $0x0  }
0x16: {  	[sflag:s13] =	ssyncadd.s32 $0xFFFF9C00  }
0x17: {  	[tilespmem:s15], [sflag:$0x1] =	stream.indirect.gather [hbm4b:s2+s14], $0x80, s3, s14, $0xb8;
	[tilespmem:$0x1E400] =	vst v63  }
0x18: {  	_ = 	snop  }
0x19: {  	[tilespmem:s16], [sflag:$0x2] =	stream.indirect.gather [hbm4b:s2+s14], $0x80, s14, s14, $0xb8;
	[tilespmem:$0x1E400] =	vst v63  }
0x1a: {  	_ = 	snop  }
0x1b: {  	[tilespmem:s18], [sflag:$0x3] =	stream.indirect.gather [hbm4b:s2+s14], $0x80, s17, s14, $0xb8;
	[tilespmem:$0x1E400] =	vst v63  }
0x1c: {  	_ =	swait.ge [sflag:s19], $0x8000  }
0x1d: {  	[sflag:s19] =	ssyncset.done $0x0  }
0x1e: {  	s28 =	sadd.s32 $0xFFFFE000, s10;
	[sflag:s19] =	ssyncadd.s32 $0xFFFF8000  }
0x1f: {  	[hbm4b:s28+s3] =	stream.linear.scatter [tilespmem:s15], [sflag:$0x4], $0x8000, $0x38;
	[tilespmem:$0x1E400] =	vst v63  }
0x20: {  	_ =	swait.ge [sflag:s20], $0x8000  }
0x21: {  	[sflag:s20] =	ssyncset.done $0x0  }
0x22: {  	s28 =	sadd.s32 $0xFFFFF000, s10;
	[sflag:s20] =	ssyncadd.s32 $0xFFFF8000  }
0x23: {  	[hbm4b:s28+s3] =	stream.linear.scatter [tilespmem:s16], [sflag:$0x5], $0x8000, $0x38;
	[tilespmem:$0x1E400] =	vst v63  }
0x24: {  	_ =	swait.ge [sflag:s21], $0x8000  }
0x25: {  	[sflag:s21] =	ssyncset.done $0x0  }
0x26: {  	[sflag:s21] =	ssyncadd.s32 $0xFFFF8000  }
0x27: {  	[hbm4b:s10+s3] =	stream.linear.scatter [tilespmem:s18], [sflag:$0x6], $0x8000, $0x38;
	[tilespmem:$0x1E400] =	vst v63  }
0x28: {  	_ =	swait.ge [sflag:s22], $0x8000  }
0x29: {  	[sflag:s22] =	ssyncset.done $0x0  }
0x2a: {  	s28 =	simm.s32 $0x300;
	[sflag:s22] =	ssyncadd.s32 $0xFFFF8000  }
0x2b: {  	[tilespmem:s15], [sflag:$0x1] =	stream.indirect.gather [hbm4b:s2+s14], $0x80, s28, s14, $0xb8;
	[tilespmem:$0x1E400] =	vst v63  }
0x2c: {  	_ =	swait.ge [sflag:s23], $0x8000  }
0x2d: {  	[sflag:s23] =	ssyncset.done $0x0  }
0x2e: {  	s28 =	simm.s32 $0x400;
	[sflag:s23] =	ssyncadd.s32 $0xFFFF8000  }
0x2f: {  	[tilespmem:s16], [sflag:$0x2] =	stream.indirect.gather [hbm4b:s2+s14], $0x80, s28, s14, $0xb8;
	[tilespmem:$0x1E400] =	vst v63  }
0x30: {  	_ =	swait.ge [sflag:s24], $0x8000  }
0x31: {  	s30 =	simm.s32 $0x500;
	[sflag:s24] =	ssyncset.done $0x0  }
0x32: {  	s29 =	sadd.s32 $0x3000, s10;
	s28 =	simm.s32 $0xC00;
	[sflag:s24] =	ssyncadd.s32 $0xFFFF8000  }
.LBB2_2:
0x33: {  	[tilespmem:s18], [sflag:$0x3] =	stream.indirect.gather [hbm4b:s2+s14], $0x80, s30, s14, $0xb8;
	[tilespmem:$0x1E400] =	vst v63  }
0x34: {  	s30 =	smov.u32 s28  }
0x35: {  	p0 =	sne.s32 s28, $0x17400;
	s28 =	sadd.s32 $0xC00, s28;
	_ =	swait.ge [sflag:s19], $0x8000  }
0x36: {  	[sflag:s19] =	ssyncset.done $0x0  }
0x37: {  	s31 =	sadd.s32 $0xFFFFE000, s29;
	[sflag:s19] =	ssyncadd.s32 $0xFFFF8000  }
0x38: {  	[hbm4b:s31+s3] =	stream.linear.scatter [tilespmem:s15], [sflag:$0x4], $0x8000, $0x38;
	[tilespmem:$0x1E400] =	vst v63  }
0x39: {  	_ =	swait.ge [sflag:s20], $0x8000  }
0x3a: {  	[sflag:s20] =	ssyncset.done $0x0  }
0x3b: {  	s31 =	sadd.s32 $0xFFFFF000, s29;
	[sflag:s20] =	ssyncadd.s32 $0xFFFF8000  }
0x3c: {  	[hbm4b:s31+s3] =	stream.linear.scatter [tilespmem:s16], [sflag:$0x5], $0x8000, $0x38;
	[tilespmem:$0x1E400] =	vst v63  }
0x3d: {  	_ =	swait.ge [sflag:s21], $0x8000  }
0x3e: {  	[sflag:s21] =	ssyncset.done $0x0  }
0x3f: {  	[sflag:s21] =	ssyncadd.s32 $0xFFFF8000  }
0x40: {  	[hbm4b:s29+s3] =	stream.linear.scatter [tilespmem:s18], [sflag:$0x6], $0x8000, $0x38;
	[tilespmem:$0x1E400] =	vst v63  }
0x41: {  	_ =	swait.ge [sflag:s22], $0x8000  }
0x42: {  	s30 =	sshra.s32 s30, $0x2;
	[sflag:s22] =	ssyncset.done $0x0  }
0x43: {  	s31 =	sadd.s32 $0x300, s30;
	[sflag:s22] =	ssyncadd.s32 $0xFFFF8000  }
0x44: {  	[tilespmem:s15], [sflag:$0x1] =	stream.indirect.gather [hbm4b:s2+s14], $0x80, s31, s14, $0xb8;
	[tilespmem:$0x1E400] =	vst v63  }
0x45: {  	_ =	swait.ge [sflag:s23], $0x8000  }
0x46: {  	[sflag:s23] =	ssyncset.done $0x0  }
.Ltmp0:
0x47: {  	s31 =	sadd.s32 $0x400, s30;
	[sflag:s23] =	ssyncadd.s32 $0xFFFF8000;
	(pc) =	sbr.rel @p0 .LBB2_2-.Ltmp0, $4  }
0x48: {  	[tilespmem:s16], [sflag:$0x2] =	stream.indirect.gather [hbm4b:s2+s14], $0x80, s31, s14, $0xb8;
	[tilespmem:$0x1E400] =	vst v63  }
0x49: {  	_ =	swait.ge [sflag:s24], $0x8000  }
0x4a: {  	[sflag:s24] =	ssyncset.done $0x0  }
0x4b: {  	s29 =	sadd.s32 $0x3000, s29;
	s30 =	sadd.s32 $0x500, s30;
	[sflag:s24] =	ssyncadd.s32 $0xFFFF8000  }
0x4c: {  	[tilespmem:s18], [sflag:$0x3] =	stream.indirect.gather [hbm4b:s2+s14], $0x80, s30, s14, $0xb8;
	[tilespmem:$0x1E400] =	vst v63  }
0x4d: {  	_ =	swait.ge [sflag:s19], $0x8000  }
0x4e: {  	[sflag:s19] =	ssyncset.done $0x0  }
0x4f: {  	[sflag:s19] =	ssyncadd.s32 $0xFFFF8000  }
0x50: {  	[hbm4b:s5+s3] =	stream.linear.scatter [tilespmem:s15], [sflag:$0x4], $0x8000, $0x38;
	[tilespmem:$0x1E400] =	vst v63  }
0x51: {  	_ =	swait.ge [sflag:s20], $0x8000  }
0x52: {  	[sflag:s20] =	ssyncset.done $0x0  }
0x53: {  	[sflag:s20] =	ssyncadd.s32 $0xFFFF8000  }
0x54: {  	[hbm4b:s6+s3] =	stream.linear.scatter [tilespmem:s16], [sflag:$0x5], $0x8000, $0x38;
	[tilespmem:$0x1E400] =	vst v63  }
0x55: {  	_ =	swait.ge [sflag:s21], $0x8000  }
0x56: {  	[sflag:s21] =	ssyncset.done $0x0  }
0x57: {  	[sflag:s21] =	ssyncadd.s32 $0xFFFF8000  }
0x58: {  	[hbm4b:s7+s3] =	stream.linear.scatter [tilespmem:s18], [sflag:$0x6], $0x8000, $0x38;
	[tilespmem:$0x1E400] =	vst v63  }
0x59: {  	_ =	swait.ge [sflag:s22], $0x8000  }
0x5a: {  	[sflag:s22] =	ssyncset.done $0x0  }
0x5b: {  	[sflag:s22] =	ssyncadd.s32 $0xFFFF8000  }
0x5c: {  	[tilespmem:s15], [sflag:$0x1] =	stream.indirect.gather [hbm4b:s2+s14], $0x80, s25, s14, $0xb8;
	[tilespmem:$0x1E400] =	vst v63  }
0x5d: {  	_ =	swait.ge [sflag:s19], $0x8000  }
0x5e: {  	[sflag:s19] =	ssyncset.done $0x0  }
0x5f: {  	[sflag:s19] =	ssyncadd.s32 $0xFFFF8000  }
0x60: {  	[hbm4b:s8+s3] =	stream.linear.scatter [tilespmem:s15], [sflag:$0x4], $0x8000, $0x38;
	[tilespmem:$0x1E400] =	vst v63  }
0x61: {  	_ =	swait.ge [sflag:s23], $0x8000  }
0x62: {  	[sflag:s23] =	ssyncset.done $0x0  }
0x63: {  	s26 =	sadd.s32 $0x1, s26;
	[sflag:s23] =	ssyncadd.s32 $0xFFFF8000  }
0x64: {  	p0 =	sne.s32 s26, s9;
	_ =	swait.ge [sflag:s24], $0x8000  }
.Ltmp1:
0x65: {  	[sflag:s24] =	ssyncset.done $0x0;
	(pc) =	sbr.rel @p0 .LBB2_1-.Ltmp1, $4  }
0x66: {  	[sflag:s24] =	ssyncadd.s32 $0xFFFF8000  }
0x67: {  	_ =	swait.ge [sflag:s22], $0x8000  }
0x68: {  	[sflag:s22] =	ssyncset.done $0x0  }
0x69: {  	[sflag:s22] =	ssyncadd.s32 $0xFFFF8000  }
0x6a: {  	_ =	sfence.sel $0x180000  }
0x6b: {  	[bflag:$0x0] =	sbarrier.arrive $0xFFFF  }
0x6c: {  	p0 =	sne.s32 s0, $0x0;
	_ =	strace $0x90000047  }
0x6d: {  	s0 =	sadd.s32 @!p0 $0x100000, s1;
	[bflag:$0x2] =	sbarrier.arrive $0xFFFF  }
0x6e: {  	[sflag:s0] =	ssyncadd.tile.s32 @!p0 $0x1;
	_ =	shalt  }
.Lfunc_end2:
_tile_overlayer_lowered:
.L_overlay_start_2:
0x6f: {  	(tag) =	ssettag $0x2  }
0x70: {  	s0 =	rddreg [dreg:$0x0];
	s2 =	stileid.u32  }
0x71: {  	s1 =	rddreg [dreg:$0x1];
	p0 =	sne.s32 s2, $0x0  }
0x72: {  	s3 =	rddreg [dreg:$0x2];
	[bflag:$0x3] =	sbarrier.arrive $0xFFFF;
	s2 =	simm.s32 @!p0 $0x1C07  }
0x73: {  	[timem:s3], [sflag:s2] =	dma.local @!p0 [hbm:s0], s1  }
0x74: {  	s0 =	simm.s32 @!p0 $0x7  }
0x75: {  	_ =	swait.ge @!p0 [sflag:s0], s1  }
0x76: {  	s1 =	ssub.s32 @!p0 $0x0, s1;
	[sflag:s0] =	ssyncset.done @!p0 $0x0  }
0x77: {  	[sflag:s0] =	ssyncadd.s32 @!p0 s1  }
0x78: {  	[bflag:$0x3] =	sbarrier.arrive $0xFFFF  }
0x79: {  	_ =	shalt  }

</sc_bundles>
